<compile_context>
chip_gen: v7x
topology: tpu7x:2x2x1
jax: 0.10.2.dev20260603
libtpu: 0.0.44.dev20260713+nightly
codegen_flags: <defaults>
</compile_context>

<pallas_src>
import functools

import jax
import jax.numpy as jnp
from jax import lax
from jax.experimental import pallas as pl
from jax.experimental.pallas import tpu as pltpu
from jax.experimental.pallas import tpu_sc as plsc

_info = plsc.get_sparse_core_info()
_NC = _info.num_cores
_NS = _info.num_subcores

_H = 200
_B = 4096
_D = 64
_V = 1_000_000

_BPT = _B // _NS
_HALF = 128
_NSUB = _H * _HALF
_DPC = _D // _NC
_VP = 1000064
_STC = 62464
_HQ = _H // 2
_NQTR = _HQ * _HALF


@functools.partial(
    pl.kernel,
    out_type=jax.ShapeDtypeStruct((_H, _D, _B), jnp.float32),
    mesh=plsc.VectorSubcoreMesh(core_axis_name="c", subcore_axis_name="s"),
    compiler_params=pltpu.CompilerParams(use_tc_tiling_on_sc=True),
    scratch_types=[
        pltpu.VMEM((2 * _NSUB,), jnp.int32),
        pltpu.VMEM((_NQTR,), jnp.float32),
        pltpu.SemaphoreType.DMA,
        pltpu.SemaphoreType.DMA,
        pltpu.SemaphoreType.DMA,
        pltpu.VMEM_SHARED((_VP,), jnp.float32),
    ],
)
def _sc_lookup(tbl_t, idx_t, out_p, idx1, dstA,
               sem_st, sem_g, sem_oA, sp0):
    c = lax.axis_index("c")
    s = lax.axis_index("s")
    b0 = s * _BPT

    def load_blk(blk, carry):
        def fire(h, carry2):
            pltpu.async_copy(idx_t.at[h, pl.ds(b0, _HALF)],
                             idx1.at[pl.ds(h * _HALF, _HALF)], sem_st)
            pltpu.async_copy(idx_t.at[h, pl.ds(b0 + _HALF, _HALF)],
                             idx1.at[pl.ds(_NSUB + h * _HALF, _HALF)], sem_st)
            return carry2

        lax.fori_loop(blk * 25, blk * 25 + 25, fire, 0)

        def drain(h, carry2):
            pltpu.make_async_copy(idx_t.at[0, pl.ds(0, _HALF)],
                                  idx1.at[pl.ds(0, _HALF)], sem_st).wait()
            pltpu.make_async_copy(idx_t.at[0, pl.ds(0, _HALF)],
                                  idx1.at[pl.ds(0, _HALF)], sem_st).wait()
            return carry2

        lax.fori_loop(0, 25, drain, 0)
        return carry

    lax.fori_loop(0, _H // 25, load_blk, 0)

    def stage_start(dd):
        row = tbl_t.at[c * _DPC + dd]
        off = s * _STC
        pltpu.async_copy(row.at[pl.ds(off, _STC)],
                         sp0.at[pl.ds(off, _STC)], sem_st)

        @pl.when(s < 5)
        def _():
            toff = _NS * _STC + s * _HALF
            pltpu.async_copy(row.at[pl.ds(toff, _HALF)],
                             sp0.at[pl.ds(toff, _HALF)], sem_st)

    def stage_wait():
        pltpu.make_async_copy(tbl_t.at[0].at[pl.ds(0, _STC)],
                              sp0.at[pl.ds(0, _STC)], sem_st).wait()

        @pl.when(s < 5)
        def _():
            pltpu.make_async_copy(tbl_t.at[0].at[pl.ds(0, _HALF)],
                                  sp0.at[pl.ds(0, _HALF)], sem_st).wait()

    dsts = (dstA,)
    osems = (sem_oA,)

    def gather(half, q, buf):
        src = sp0.at[idx1.at[pl.ds(half * _NSUB + q * _NQTR, _NQTR)]]
        pltpu.async_copy(src, dsts[buf], sem_g)
        pltpu.make_async_copy(src, dsts[buf], sem_g).wait()

    def fire_writes(dd, half, q, buf):
        d = c * _DPC + dd
        bh = b0 + half * _HALF
        h0 = q * _HQ

        def wr(h, carry):
            pltpu.async_copy(dsts[buf].at[pl.ds(h * _HALF, _HALF)],
                             out_p.at[h0 + h, d, pl.ds(bh, _HALF)], osems[buf])
            return carry

        lax.fori_loop(0, _HQ, wr, 0)

    def drain_writes(buf):
        def dr(h, carry):
            pltpu.make_async_copy(dsts[buf].at[pl.ds(0, _HALF)],
                                  out_p.at[0, 0, pl.ds(0, _HALF)],
                                  osems[buf]).wait()
            return carry

        lax.fori_loop(0, _HQ, dr, 0)

    def body(dd, carry):
        stage_start(dd)
        stage_wait()
        plsc.subcore_barrier()

        for part in range(4):
            half, q = part // 2, part % 2
            buf = 0
            if part == 0:
                @pl.when(dd >= 1)
                def _():
                    drain_writes(buf)
            else:
                drain_writes(buf)

            gather(half, q, buf)
            fire_writes(dd, half, q, buf)

        plsc.subcore_barrier()
        return carry

    lax.fori_loop(0, _DPC, body, 0)
    drain_writes(0)


def kernel(indices, table):
    out_p = _sc_lookup(table.T, indices.T.astype(jnp.int32))
    return jnp.transpose(out_p, (2, 0, 1))

# --- scband reference (transcript-rebuilt; emitter-appended) ---
"""Pipeline reference for scband-context-aware-tokenizer-24902220382608 (READ-ONLY COPY).

The authoritative reference and input builder live on the scoring server;
editing this copy changes nothing except your own understanding.
"""

import jax, jax.numpy as jnp
import numpy as np

VOCAB = 1000000
EMBED_DIM = 64
BATCH = 4096
HIST = 200


def setup_inputs(seed: int = 0) -> dict:
    key = jax.random.key(seed)
    k_idx, k_tab = jax.random.split(key)
    indices = jax.random.randint(k_idx, (BATCH, HIST), 0, VOCAB, dtype=jnp.int64 if jax.config.jax_enable_x64 else jnp.int32)
    table = jax.random.normal(k_tab, (VOCAB, EMBED_DIM), dtype=jnp.float32)
    return {"indices": indices, "table": table}


def reference(indices, table):
    # ContextAwareTokenizer.subword_context embedding lookup:
    # nn.Embedding(vocab_size, 64)(indices) -> gather rows of the table.
    return jnp.take(table, indices, axis=0)

if __name__ == "__main__":
    import jax
    _d = setup_inputs()
    print(jax.jit(kernel)(*tuple(_d.values())))

</pallas_src>

<mosaic_0001>
#map = affine_map<(d0, d1) -> (0, 0)>
#map1 = affine_map<(d0, d1) -> (0, 0, 0)>
module attributes {stable_mosaic.version = 14 : i64} {
  func.func @_sc_lookup(%arg0: i32, %arg1: i32, %arg2: memref<64x1000000xf32, #tpu.memory_space<hbm>>, %arg3: memref<200x4096xi32, #tpu.memory_space<hbm>>, %arg4: memref<200x64x4096xf32, #tpu.memory_space<hbm>>, %arg5: memref<51200xi32, #tpu.memory_space<vmem>>, %arg6: memref<12800xf32, #tpu.memory_space<vmem>>, %arg7: memref<!tpu.dma_semaphore, #tpu.memory_space<semaphore_mem>>, %arg8: memref<!tpu.dma_semaphore, #tpu.memory_space<semaphore_mem>>, %arg9: memref<!tpu.dma_semaphore, #tpu.memory_space<semaphore_mem>>, %arg10: memref<1000064xf32, #tpu.memory_space<vmem_shared>>) attributes {dimension_semantics = [#tpu.dimension_semantics<core_parallel>, #tpu.dimension_semantics<subcore_parallel>], iteration_bounds = array<i64: 2, 16>, scalar_prefetch = 0 : i64, scratch_operands = 6 : i64, tpu.core_type = #tpu.core_type<sc_vector_subcore>, window_params = [{transform_indices = #map}, {transform_indices = #map}, {transform_indices = #map1}]} {
    %mul3A = arith.constant 256 : i32
    %mul3A_0 = arith.muli %arg1, %mul3A : i32
    %scan3A = arith.constant 0 : i32
    %scan3A_1 = arith.constant 0 : i32
    %scan3A_2 = arith.constant 8 : i32
    %scan3A_3 = arith.addi %scan3A_1, %scan3A_2 : i32
    %scan3A_4 = arith.constant 1 : i32
    scf.for %scan3A_18 = %scan3A_1 to %scan3A_3 step %scan3A_4  : i32 {
      %mul3A_19 = arith.constant 25 : i32
      %mul3A_20 = arith.muli %scan3A_18, %mul3A_19 : i32
      %mul3A_21 = arith.constant 25 : i32
      %mul3A_22 = arith.muli %scan3A_18, %mul3A_21 : i32
      %add3A = arith.constant 25 : i32
      %add3A_23 = arith.addi %mul3A_22, %add3A : i32
      %while3A = arith.constant 0 : i32
      %while3A_24 = arith.subi %add3A_23, %mul3A_20 : i32
      %while3A_25 = arith.addi %mul3A_20, %while3A_24 : i32
      %while3A_26 = arith.constant 1 : i32
      %while3A_27 = arith.divsi %while3A_24, %while3A_26 : i32
      %while3A_28 = arith.muli %while3A_27, %while3A_26 : i32
      %while3A_29 = arith.addi %mul3A_20, %while3A_28 : i32
      %while3A_30 = arith.constant 1 : i32
      scf.for %while3A_38 = %mul3A_20 to %while3A_29 step %while3A_30  : i32 {
        %mul3A_39 = arith.constant 128 : i32
        %mul3A_40 = arith.muli %while3A_38, %mul3A_39 : i32
        %dma_start3A = tpu.memref_slice %arg5[%mul3A_40] : memref<51200xi32, #tpu.memory_space<vmem>> -> memref<128xi32, #tpu.memory_space<vmem>>
        %dma_start3A_41 = tpu.memref_slice %arg3[%while3A_38, %mul3A_0] : memref<200x4096xi32, #tpu.memory_space<hbm>> -> memref<1x128xi32, #tpu.memory_space<hbm>>
        %dma_start3A_42 = tpu.memref_squeeze %dma_start3A_41 : memref<1x128xi32, #tpu.memory_space<hbm>> -> memref<128xi32, #tpu.memory_space<hbm>>
        %dma_start3A_43 = tpu.memref_slice %arg5[%mul3A_40] : memref<51200xi32, #tpu.memory_space<vmem>> -> memref<128xi32, #tpu.memory_space<vmem>>
        %dma_start3A_44 = tpu.memref_slice %arg3[%while3A_38, %mul3A_0] : memref<200x4096xi32, #tpu.memory_space<hbm>> -> memref<1x128xi32, #tpu.memory_space<hbm>>
        %dma_start3A_45 = tpu.memref_squeeze %dma_start3A_44 : memref<1x128xi32, #tpu.memory_space<hbm>> -> memref<128xi32, #tpu.memory_space<hbm>>
        tpu.enqueue_dma source(%dma_start3A_45 : memref<128xi32, #tpu.memory_space<hbm>>) target(%dma_start3A_43 : memref<128xi32, #tpu.memory_space<vmem>>) target_semaphore(%arg7 : memref<!tpu.dma_semaphore, #tpu.memory_space<semaphore_mem>>)
        %add3A_46 = arith.constant 128 : i32
        %add3A_47 = arith.addi %mul3A_0, %add3A_46 : i32
        %mul3A_48 = arith.constant 128 : i32
        %mul3A_49 = arith.muli %while3A_38, %mul3A_48 : i32
        %add3A_50 = arith.constant 25600 : i32
        %add3A_51 = arith.addi %add3A_50, %mul3A_49 : i32
        %dma_start3A_52 = tpu.memref_slice %arg5[%add3A_51] : memref<51200xi32, #tpu.memory_space<vmem>> -> memref<128xi32, #tpu.memory_space<vmem>>
        %dma_start3A_53 = tpu.memref_slice %arg3[%while3A_38, %add3A_47] : memref<200x4096xi32, #tpu.memory_space<hbm>> -> memref<1x128xi32, #tpu.memory_space<hbm>>
        %dma_start3A_54 = tpu.memref_squeeze %dma_start3A_53 : memref<1x128xi32, #tpu.memory_space<hbm>> -> memref<128xi32, #tpu.memory_space<hbm>>
        %dma_start3A_55 = tpu.memref_slice %arg5[%add3A_51] : memref<51200xi32, #tpu.memory_space<vmem>> -> memref<128xi32, #tpu.memory_space<vmem>>
        %dma_start3A_56 = tpu.memref_slice %arg3[%while3A_38, %add3A_47] : memref<200x4096xi32, #tpu.memory_space<hbm>> -> memref<1x128xi32, #tpu.memory_space<hbm>>
        %dma_start3A_57 = tpu.memref_squeeze %dma_start3A_56 : memref<1x128xi32, #tpu.memory_space<hbm>> -> memref<128xi32, #tpu.memory_space<hbm>>
        tpu.enqueue_dma source(%dma_start3A_57 : memref<128xi32, #tpu.memory_space<hbm>>) target(%dma_start3A_55 : memref<128xi32, #tpu.memory_space<vmem>>) target_semaphore(%arg7 : memref<!tpu.dma_semaphore, #tpu.memory_space<semaphore_mem>>)
      }
      %while3A_31 = arith.constant 1 : i32
      scf.for %while3A_38 = %while3A_29 to %while3A_25 step %while3A_31  : i32 {
        %mul3A_39 = arith.constant 128 : i32
        %mul3A_40 = arith.muli %while3A_38, %mul3A_39 : i32
        %dma_start3A = tpu.memref_slice %arg5[%mul3A_40] : memref<51200xi32, #tpu.memory_space<vmem>> -> memref<128xi32, #tpu.memory_space<vmem>>
        %dma_start3A_41 = tpu.memref_slice %arg3[%while3A_38, %mul3A_0] : memref<200x4096xi32, #tpu.memory_space<hbm>> -> memref<1x128xi32, #tpu.memory_space<hbm>>
        %dma_start3A_42 = tpu.memref_squeeze %dma_start3A_41 : memref<1x128xi32, #tpu.memory_space<hbm>> -> memref<128xi32, #tpu.memory_space<hbm>>
        %dma_start3A_43 = tpu.memref_slice %arg5[%mul3A_40] : memref<51200xi32, #tpu.memory_space<vmem>> -> memref<128xi32, #tpu.memory_space<vmem>>
        %dma_start3A_44 = tpu.memref_slice %arg3[%while3A_38, %mul3A_0] : memref<200x4096xi32, #tpu.memory_space<hbm>> -> memref<1x128xi32, #tpu.memory_space<hbm>>
        %dma_start3A_45 = tpu.memref_squeeze %dma_start3A_44 : memref<1x128xi32, #tpu.memory_space<hbm>> -> memref<128xi32, #tpu.memory_space<hbm>>
        tpu.enqueue_dma source(%dma_start3A_45 : memref<128xi32, #tpu.memory_space<hbm>>) target(%dma_start3A_43 : memref<128xi32, #tpu.memory_space<vmem>>) target_semaphore(%arg7 : memref<!tpu.dma_semaphore, #tpu.memory_space<semaphore_mem>>)
        %add3A_46 = arith.constant 128 : i32
        %add3A_47 = arith.addi %mul3A_0, %add3A_46 : i32
        %mul3A_48 = arith.constant 128 : i32
        %mul3A_49 = arith.muli %while3A_38, %mul3A_48 : i32
        %add3A_50 = arith.constant 25600 : i32
        %add3A_51 = arith.addi %add3A_50, %mul3A_49 : i32
        %dma_start3A_52 = tpu.memref_slice %arg5[%add3A_51] : memref<51200xi32, #tpu.memory_space<vmem>> -> memref<128xi32, #tpu.memory_space<vmem>>
        %dma_start3A_53 = tpu.memref_slice %arg3[%while3A_38, %add3A_47] : memref<200x4096xi32, #tpu.memory_space<hbm>> -> memref<1x128xi32, #tpu.memory_space<hbm>>
        %dma_start3A_54 = tpu.memref_squeeze %dma_start3A_53 : memref<1x128xi32, #tpu.memory_space<hbm>> -> memref<128xi32, #tpu.memory_space<hbm>>
        %dma_start3A_55 = tpu.memref_slice %arg5[%add3A_51] : memref<51200xi32, #tpu.memory_space<vmem>> -> memref<128xi32, #tpu.memory_space<vmem>>
        %dma_start3A_56 = tpu.memref_slice %arg3[%while3A_38, %add3A_47] : memref<200x4096xi32, #tpu.memory_space<hbm>> -> memref<1x128xi32, #tpu.memory_space<hbm>>
        %dma_start3A_57 = tpu.memref_squeeze %dma_start3A_56 : memref<1x128xi32, #tpu.memory_space<hbm>> -> memref<128xi32, #tpu.memory_space<hbm>>
        tpu.enqueue_dma source(%dma_start3A_57 : memref<128xi32, #tpu.memory_space<hbm>>) target(%dma_start3A_55 : memref<128xi32, #tpu.memory_space<vmem>>) target_semaphore(%arg7 : memref<!tpu.dma_semaphore, #tpu.memory_space<semaphore_mem>>)
      }
      %scan3A_32 = arith.constant 0 : i32
      %scan3A_33 = arith.constant 0 : i32
      %scan3A_34 = arith.constant 25 : i32
      %scan3A_35 = arith.addi %scan3A_33, %scan3A_34 : i32
      %scan3A_36 = arith.constant 1 : i32
      scf.for %scan3A_38 = %scan3A_33 to %scan3A_35 step %scan3A_36  : i32 {
        %dma_wait3A = arith.constant 0 : i32
        %dma_wait3A_39 = arith.constant 0 : i32
        %dma_wait3A_40 = tpu.memref_slice %arg5[%dma_wait3A_39] : memref<51200xi32, #tpu.memory_space<vmem>> -> memref<128xi32, #tpu.memory_space<vmem>>
        %dma_wait3A_41 = arith.constant 0 : i32
        %dma_wait3A_42 = tpu.memref_slice %arg3[%dma_wait3A, %dma_wait3A_41] : memref<200x4096xi32, #tpu.memory_space<hbm>> -> memref<1x128xi32, #tpu.memory_space<hbm>>
        %dma_wait3A_43 = tpu.memref_squeeze %dma_wait3A_42 : memref<1x128xi32, #tpu.memory_space<hbm>> -> memref<128xi32, #tpu.memory_space<hbm>>
        %dma_wait3A_44 = arith.constant 0 : i32
        %dma_wait3A_45 = tpu.memref_slice %arg5[%dma_wait3A_44] : memref<51200xi32, #tpu.memory_space<vmem>> -> memref<128xi32, #tpu.memory_space<vmem>>
        %dma_wait3A_46 = arith.constant 0 : i32
        %dma_wait3A_47 = tpu.memref_slice %arg3[%dma_wait3A, %dma_wait3A_46] : memref<200x4096xi32, #tpu.memory_space<hbm>> -> memref<1x128xi32, #tpu.memory_space<hbm>>
        %dma_wait3A_48 = tpu.memref_squeeze %dma_wait3A_47 : memref<1x128xi32, #tpu.memory_space<hbm>> -> memref<128xi32, #tpu.memory_space<hbm>>
        tpu.wait_dma2 semaphore(%arg7 : memref<!tpu.dma_semaphore, #tpu.memory_space<semaphore_mem>>) src(%dma_wait3A_48 : memref<128xi32, #tpu.memory_space<hbm>>) dst(%dma_wait3A_45 : memref<128xi32, #tpu.memory_space<vmem>>)
        %dma_wait3A_49 = arith.constant 0 : i32
        %dma_wait3A_50 = arith.constant 0 : i32
        %dma_wait3A_51 = tpu.memref_slice %arg5[%dma_wait3A_50] : memref<51200xi32, #tpu.memory_space<vmem>> -> memref<128xi32, #tpu.memory_space<vmem>>
        %dma_wait3A_52 = arith.constant 0 : i32
        %dma_wait3A_53 = tpu.memref_slice %arg3[%dma_wait3A_49, %dma_wait3A_52] : memref<200x4096xi32, #tpu.memory_space<hbm>> -> memref<1x128xi32, #tpu.memory_space<hbm>>
        %dma_wait3A_54 = tpu.memref_squeeze %dma_wait3A_53 : memref<1x128xi32, #tpu.memory_space<hbm>> -> memref<128xi32, #tpu.memory_space<hbm>>
        %dma_wait3A_55 = arith.constant 0 : i32
        %dma_wait3A_56 = tpu.memref_slice %arg5[%dma_wait3A_55] : memref<51200xi32, #tpu.memory_space<vmem>> -> memref<128xi32, #tpu.memory_space<vmem>>
        %dma_wait3A_57 = arith.constant 0 : i32
        %dma_wait3A_58 = tpu.memref_slice %arg3[%dma_wait3A_49, %dma_wait3A_57] : memref<200x4096xi32, #tpu.memory_space<hbm>> -> memref<1x128xi32, #tpu.memory_space<hbm>>
        %dma_wait3A_59 = tpu.memref_squeeze %dma_wait3A_58 : memref<1x128xi32, #tpu.memory_space<hbm>> -> memref<128xi32, #tpu.memory_space<hbm>>
        tpu.wait_dma2 semaphore(%arg7 : memref<!tpu.dma_semaphore, #tpu.memory_space<semaphore_mem>>) src(%dma_wait3A_59 : memref<128xi32, #tpu.memory_space<hbm>>) dst(%dma_wait3A_56 : memref<128xi32, #tpu.memory_space<vmem>>)
      }
      %scan3A_37 = arith.constant 25 : i32
    }
    %scan3A_5 = arith.constant 8 : i32
    %scan3A_6 = arith.constant 0 : i32
    %scan3A_7 = arith.constant 0 : i32
    %scan3A_8 = arith.constant 32 : i32
    %scan3A_9 = arith.addi %scan3A_7, %scan3A_8 : i32
    %scan3A_10 = arith.constant 1 : i32
    scf.for %scan3A_18 = %scan3A_7 to %scan3A_9 step %scan3A_10  : i32 {
      %mul3A_19 = arith.constant 32 : i32
      %mul3A_20 = arith.muli %arg0, %mul3A_19 : i32
      %add3A = arith.addi %mul3A_20, %scan3A_18 : i32
      %mul3A_21 = arith.constant 62464 : i32
      %mul3A_22 = arith.muli %arg1, %mul3A_21 : i32
      %dma_start3A = tpu.memref_slice %arg10[%mul3A_22] : memref<1000064xf32, #tpu.memory_space<vmem_shared>> -> memref<62464xf32, #tpu.memory_space<vmem_shared>>
      %dma_start3A_23 = arith.constant 0 : i32
      %dma_start3A_24 = tpu.memref_slice %arg2[%add3A, %dma_start3A_23] : memref<64x1000000xf32, #tpu.memory_space<hbm>> -> memref<1x1000000xf32, #tpu.memory_space<hbm>>
      %dma_start3A_25 = tpu.memref_squeeze %dma_start3A_24 : memref<1x1000000xf32, #tpu.memory_space<hbm>> -> memref<1000000xf32, #tpu.memory_space<hbm>>
      %dma_start3A_26 = tpu.memref_slice %dma_start3A_25[%mul3A_22] : memref<1000000xf32, #tpu.memory_space<hbm>> -> memref<62464xf32, #tpu.memory_space<hbm>>
      tpu.enqueue_dma source(%dma_start3A_26 : memref<62464xf32, #tpu.memory_space<hbm>>) target(%dma_start3A : memref<62464xf32, #tpu.memory_space<vmem_shared>>) target_semaphore(%arg7 : memref<!tpu.dma_semaphore, #tpu.memory_space<semaphore_mem>>)
      %lt3A = arith.constant 5 : i32
      %lt3A_27 = arith.cmpi slt, %arg1, %lt3A : i32
      %convert_element_type3A = arith.extui %lt3A_27 : i1 to i32
      %cond3A = arith.constant 0 : i32
      %cond3A_28 = arith.cmpi ne, %convert_element_type3A, %cond3A : i32
      scf.if %cond3A_28 {
        %mul3A_140 = arith.constant 128 : i32
        %mul3A_141 = arith.muli %arg1, %mul3A_140 : i32
        %add3A_142 = arith.constant 999424 : i32
        %add3A_143 = arith.addi %add3A_142, %mul3A_141 : i32
        %dma_start3A_144 = tpu.memref_slice %arg10[%add3A_143] : memref<1000064xf32, #tpu.memory_space<vmem_shared>> -> memref<128xf32, #tpu.memory_space<vmem_shared>>
        %dma_start3A_145 = arith.constant 0 : i32
        %dma_start3A_146 = tpu.memref_slice %arg2[%add3A, %dma_start3A_145] : memref<64x1000000xf32, #tpu.memory_space<hbm>> -> memref<1x1000000xf32, #tpu.memory_space<hbm>>
        %dma_start3A_147 = tpu.memref_squeeze %dma_start3A_146 : memref<1x1000000xf32, #tpu.memory_space<hbm>> -> memref<1000000xf32, #tpu.memory_space<hbm>>
        %dma_start3A_148 = tpu.memref_slice %dma_start3A_147[%add3A_143] : memref<1000000xf32, #tpu.memory_space<hbm>> -> memref<128xf32, #tpu.memory_space<hbm>>
        tpu.enqueue_dma source(%dma_start3A_148 : memref<128xf32, #tpu.memory_space<hbm>>) target(%dma_start3A_144 : memref<128xf32, #tpu.memory_space<vmem_shared>>) target_semaphore(%arg7 : memref<!tpu.dma_semaphore, #tpu.memory_space<semaphore_mem>>)
      } else {
      }
      %dma_wait3A = arith.constant 0 : i32
      %dma_wait3A_29 = arith.constant 0 : i32
      %dma_wait3A_30 = tpu.memref_slice %arg10[%dma_wait3A_29] : memref<1000064xf32, #tpu.memory_space<vmem_shared>> -> memref<62464xf32, #tpu.memory_space<vmem_shared>>
      %dma_wait3A_31 = arith.constant 0 : i32
      %dma_wait3A_32 = tpu.memref_slice %arg2[%dma_wait3A, %dma_wait3A_31] : memref<64x1000000xf32, #tpu.memory_space<hbm>> -> memref<1x1000000xf32, #tpu.memory_space<hbm>>
      %dma_wait3A_33 = tpu.memref_squeeze %dma_wait3A_32 : memref<1x1000000xf32, #tpu.memory_space<hbm>> -> memref<1000000xf32, #tpu.memory_space<hbm>>
      %dma_wait3A_34 = arith.constant 0 : i32
      %dma_wait3A_35 = tpu.memref_slice %dma_wait3A_33[%dma_wait3A_34] : memref<1000000xf32, #tpu.memory_space<hbm>> -> memref<62464xf32, #tpu.memory_space<hbm>>
      tpu.wait_dma2 semaphore(%arg7 : memref<!tpu.dma_semaphore, #tpu.memory_space<semaphore_mem>>) src(%dma_wait3A_35 : memref<62464xf32, #tpu.memory_space<hbm>>) dst(%dma_wait3A_30 : memref<62464xf32, #tpu.memory_space<vmem_shared>>)
      %lt3A_36 = arith.constant 5 : i32
      %lt3A_37 = arith.cmpi slt, %arg1, %lt3A_36 : i32
      %convert_element_type3A_38 = arith.extui %lt3A_37 : i1 to i32
      %cond3A_39 = arith.constant 0 : i32
      %cond3A_40 = arith.cmpi ne, %convert_element_type3A_38, %cond3A_39 : i32
      scf.if %cond3A_40 {
        %dma_wait3A_140 = arith.constant 0 : i32
        %dma_wait3A_141 = arith.constant 0 : i32
        %dma_wait3A_142 = tpu.memref_slice %arg10[%dma_wait3A_141] : memref<1000064xf32, #tpu.memory_space<vmem_shared>> -> memref<128xf32, #tpu.memory_space<vmem_shared>>
        %dma_wait3A_143 = arith.constant 0 : i32
        %dma_wait3A_144 = tpu.memref_slice %arg2[%dma_wait3A_140, %dma_wait3A_143] : memref<64x1000000xf32, #tpu.memory_space<hbm>> -> memref<1x1000000xf32, #tpu.memory_space<hbm>>
        %dma_wait3A_145 = tpu.memref_squeeze %dma_wait3A_144 : memref<1x1000000xf32, #tpu.memory_space<hbm>> -> memref<1000000xf32, #tpu.memory_space<hbm>>
        %dma_wait3A_146 = arith.constant 0 : i32
        %dma_wait3A_147 = tpu.memref_slice %dma_wait3A_145[%dma_wait3A_146] : memref<1000000xf32, #tpu.memory_space<hbm>> -> memref<128xf32, #tpu.memory_space<hbm>>
        tpu.wait_dma2 semaphore(%arg7 : memref<!tpu.dma_semaphore, #tpu.memory_space<semaphore_mem>>) src(%dma_wait3A_147 : memref<128xf32, #tpu.memory_space<hbm>>) dst(%dma_wait3A_142 : memref<128xf32, #tpu.memory_space<vmem_shared>>)
      } else {
      }
      %barrier3A = arith.constant 0 : index
      tpu.barrier barrier_id(%barrier3A)
      %ge3A = arith.constant 1 : i32
      %ge3A_41 = arith.cmpi sge, %scan3A_18, %ge3A : i32
      %convert_element_type3A_42 = arith.extui %ge3A_41 : i1 to i32
      %cond3A_43 = arith.constant 0 : i32
      %cond3A_44 = arith.cmpi ne, %convert_element_type3A_42, %cond3A_43 : i32
      scf.if %cond3A_44 {
        %scan3A_140 = arith.constant 0 : i32
        %scan3A_141 = arith.constant 0 : i32
        %scan3A_142 = arith.constant 100 : i32
        %scan3A_143 = arith.addi %scan3A_141, %scan3A_142 : i32
        %scan3A_144 = arith.constant 1 : i32
        scf.for %scan3A_146 = %scan3A_141 to %scan3A_143 step %scan3A_144  : i32 {
          %dma_wait3A_147 = arith.constant 0 : i32
          %dma_wait3A_148 = arith.constant 0 : i32
          %dma_wait3A_149 = arith.constant 0 : i32
          %dma_wait3A_150 = tpu.memref_slice %arg6[%dma_wait3A_149] : memref<12800xf32, #tpu.memory_space<vmem>> -> memref<128xf32, #tpu.memory_space<vmem>>
          %dma_wait3A_151 = arith.constant 0 : i32
          %dma_wait3A_152 = tpu.memref_slice %arg4[%dma_wait3A_147, %dma_wait3A_148, %dma_wait3A_151] : memref<200x64x4096xf32, #tpu.memory_space<hbm>> -> memref<1x1x128xf32, #tpu.memory_space<hbm>>
          %dma_wait3A_153 = tpu.memref_squeeze %dma_wait3A_152 : memref<1x1x128xf32, #tpu.memory_space<hbm>> -> memref<128xf32, #tpu.memory_space<hbm>>
          %dma_wait3A_154 = arith.constant 0 : i32
          %dma_wait3A_155 = tpu.memref_slice %arg4[%dma_wait3A_147, %dma_wait3A_148, %dma_wait3A_154] : memref<200x64x4096xf32, #tpu.memory_space<hbm>> -> memref<1x1x128xf32, #tpu.memory_space<hbm>>
          %dma_wait3A_156 = tpu.memref_squeeze %dma_wait3A_155 : memref<1x1x128xf32, #tpu.memory_space<hbm>> -> memref<128xf32, #tpu.memory_space<hbm>>
          %dma_wait3A_157 = arith.constant 0 : i32
          %dma_wait3A_158 = tpu.memref_slice %arg6[%dma_wait3A_157] : memref<12800xf32, #tpu.memory_space<vmem>> -> memref<128xf32, #tpu.memory_space<vmem>>
          tpu.wait_dma2 semaphore(%arg9 : memref<!tpu.dma_semaphore, #tpu.memory_space<semaphore_mem>>) src(%dma_wait3A_158 : memref<128xf32, #tpu.memory_space<vmem>>) dst(%dma_wait3A_156 : memref<128xf32, #tpu.memory_space<hbm>>)
        }
        %scan3A_145 = arith.constant 100 : i32
      } else {
      }
      %dma_start3A_45 = arith.constant 0 : i32
      %dma_start3A_46 = tpu.memref_slice %arg5[%dma_start3A_45] : memref<51200xi32, #tpu.memory_space<vmem>> -> memref<12800xi32, #tpu.memory_space<vmem>>
      %dma_start3A_47 = arith.constant 0 : i32
      %dma_start3A_48 = tpu.memref_slice %arg10[%dma_start3A_47] : memref<1000064xf32, #tpu.memory_space<vmem_shared>> -> memref<1000064xf32, #tpu.memory_space<vmem_shared>>
      tpu.enqueue_indirect_dma source(%dma_start3A_48 : memref<1000064xf32, #tpu.memory_space<vmem_shared>>) target(%arg6 : memref<12800xf32, #tpu.memory_space<vmem>>) offsets(%dma_start3A_46 : memref<12800xi32, #tpu.memory_space<vmem>>) semaphore(%arg8 : memref<!tpu.dma_semaphore, #tpu.memory_space<semaphore_mem>>)
      %dma_wait3A_49 = arith.constant 0 : i32
      %dma_wait3A_50 = tpu.memref_slice %arg5[%dma_wait3A_49] : memref<51200xi32, #tpu.memory_space<vmem>> -> memref<12800xi32, #tpu.memory_space<vmem>>
      %dma_wait3A_51 = arith.constant 0 : i32
      %dma_wait3A_52 = tpu.memref_slice %arg10[%dma_wait3A_51] : memref<1000064xf32, #tpu.memory_space<vmem_shared>> -> memref<1000064xf32, #tpu.memory_space<vmem_shared>>
      tpu.wait_indirect_dma semaphore(%arg8 : memref<!tpu.dma_semaphore, #tpu.memory_space<semaphore_mem>>) src(%dma_wait3A_52 : memref<1000064xf32, #tpu.memory_space<vmem_shared>>) dst(%arg6 : memref<12800xf32, #tpu.memory_space<vmem>>)
      %mul3A_53 = arith.constant 32 : i32
      %mul3A_54 = arith.muli %arg0, %mul3A_53 : i32
      %add3A_55 = arith.addi %mul3A_54, %scan3A_18 : i32
      %add3A_56 = arith.constant 0 : i32
      %add3A_57 = arith.addi %mul3A_0, %add3A_56 : i32
      %scan3A_58 = arith.constant 0 : i32
      %scan3A_59 = arith.constant 0 : i32
      %scan3A_60 = arith.constant 100 : i32
      %scan3A_61 = arith.addi %scan3A_59, %scan3A_60 : i32
      %scan3A_62 = arith.constant 1 : i32
      scf.for %scan3A_140 = %scan3A_59 to %scan3A_61 step %scan3A_62  : i32 {
        %mul3A_141 = arith.constant 128 : i32
        %mul3A_142 = arith.muli %scan3A_140, %mul3A_141 : i32
        %add3A_143 = arith.constant 0 : i32
        %add3A_144 = arith.addi %add3A_143, %scan3A_140 : i32
        %dma_start3A_145 = tpu.memref_slice %arg6[%mul3A_142] : memref<12800xf32, #tpu.memory_space<vmem>> -> memref<128xf32, #tpu.memory_space<vmem>>
        %dma_start3A_146 = tpu.memref_slice %arg4[%add3A_144, %add3A_55, %add3A_57] : memref<200x64x4096xf32, #tpu.memory_space<hbm>> -> memref<1x1x128xf32, #tpu.memory_space<hbm>>
        %dma_start3A_147 = tpu.memref_squeeze %dma_start3A_146 : memref<1x1x128xf32, #tpu.memory_space<hbm>> -> memref<128xf32, #tpu.memory_space<hbm>>
        %dma_start3A_148 = tpu.memref_slice %arg4[%add3A_144, %add3A_55, %add3A_57] : memref<200x64x4096xf32, #tpu.memory_space<hbm>> -> memref<1x1x128xf32, #tpu.memory_space<hbm>>
        %dma_start3A_149 = tpu.memref_squeeze %dma_start3A_148 : memref<1x1x128xf32, #tpu.memory_space<hbm>> -> memref<128xf32, #tpu.memory_space<hbm>>
        %dma_start3A_150 = tpu.memref_slice %arg6[%mul3A_142] : memref<12800xf32, #tpu.memory_space<vmem>> -> memref<128xf32, #tpu.memory_space<vmem>>
        tpu.enqueue_dma source(%dma_start3A_150 : memref<128xf32, #tpu.memory_space<vmem>>) target(%dma_start3A_149 : memref<128xf32, #tpu.memory_space<hbm>>) target_semaphore(%arg9 : memref<!tpu.dma_semaphore, #tpu.memory_space<semaphore_mem>>)
      }
      %scan3A_63 = arith.constant 100 : i32
      %scan3A_64 = arith.constant 0 : i32
      %scan3A_65 = arith.constant 0 : i32
      %scan3A_66 = arith.constant 100 : i32
      %scan3A_67 = arith.addi %scan3A_65, %scan3A_66 : i32
      %scan3A_68 = arith.constant 1 : i32
      scf.for %scan3A_140 = %scan3A_65 to %scan3A_67 step %scan3A_68  : i32 {
        %dma_wait3A_141 = arith.constant 0 : i32
        %dma_wait3A_142 = arith.constant 0 : i32
        %dma_wait3A_143 = arith.constant 0 : i32
        %dma_wait3A_144 = tpu.memref_slice %arg6[%dma_wait3A_143] : memref<12800xf32, #tpu.memory_space<vmem>> -> memref<128xf32, #tpu.memory_space<vmem>>
        %dma_wait3A_145 = arith.constant 0 : i32
        %dma_wait3A_146 = tpu.memref_slice %arg4[%dma_wait3A_141, %dma_wait3A_142, %dma_wait3A_145] : memref<200x64x4096xf32, #tpu.memory_space<hbm>> -> memref<1x1x128xf32, #tpu.memory_space<hbm>>
        %dma_wait3A_147 = tpu.memref_squeeze %dma_wait3A_146 : memref<1x1x128xf32, #tpu.memory_space<hbm>> -> memref<128xf32, #tpu.memory_space<hbm>>
        %dma_wait3A_148 = arith.constant 0 : i32
        %dma_wait3A_149 = tpu.memref_slice %arg4[%dma_wait3A_141, %dma_wait3A_142, %dma_wait3A_148] : memref<200x64x4096xf32, #tpu.memory_space<hbm>> -> memref<1x1x128xf32, #tpu.memory_space<hbm>>
        %dma_wait3A_150 = tpu.memref_squeeze %dma_wait3A_149 : memref<1x1x128xf32, #tpu.memory_space<hbm>> -> memref<128xf32, #tpu.memory_space<hbm>>
        %dma_wait3A_151 = arith.constant 0 : i32
        %dma_wait3A_152 = tpu.memref_slice %arg6[%dma_wait3A_151] : memref<12800xf32, #tpu.memory_space<vmem>> -> memref<128xf32, #tpu.memory_space<vmem>>
        tpu.wait_dma2 semaphore(%arg9 : memref<!tpu.dma_semaphore, #tpu.memory_space<semaphore_mem>>) src(%dma_wait3A_152 : memref<128xf32, #tpu.memory_space<vmem>>) dst(%dma_wait3A_150 : memref<128xf32, #tpu.memory_space<hbm>>)
      }
      %scan3A_69 = arith.constant 100 : i32
      %dma_start3A_70 = arith.constant 12800 : i32
      %dma_start3A_71 = tpu.memref_slice %arg5[%dma_start3A_70] : memref<51200xi32, #tpu.memory_space<vmem>> -> memref<12800xi32, #tpu.memory_space<vmem>>
      %dma_start3A_72 = arith.constant 0 : i32
      %dma_start3A_73 = tpu.memref_slice %arg10[%dma_start3A_72] : memref<1000064xf32, #tpu.memory_space<vmem_shared>> -> memref<1000064xf32, #tpu.memory_space<vmem_shared>>
      tpu.enqueue_indirect_dma source(%dma_start3A_73 : memref<1000064xf32, #tpu.memory_space<vmem_shared>>) target(%arg6 : memref<12800xf32, #tpu.memory_space<vmem>>) offsets(%dma_start3A_71 : memref<12800xi32, #tpu.memory_space<vmem>>) semaphore(%arg8 : memref<!tpu.dma_semaphore, #tpu.memory_space<semaphore_mem>>)
      %dma_wait3A_74 = arith.constant 12800 : i32
      %dma_wait3A_75 = tpu.memref_slice %arg5[%dma_wait3A_74] : memref<51200xi32, #tpu.memory_space<vmem>> -> memref<12800xi32, #tpu.memory_space<vmem>>
      %dma_wait3A_76 = arith.constant 0 : i32
      %dma_wait3A_77 = tpu.memref_slice %arg10[%dma_wait3A_76] : memref<1000064xf32, #tpu.memory_space<vmem_shared>> -> memref<1000064xf32, #tpu.memory_space<vmem_shared>>
      tpu.wait_indirect_dma semaphore(%arg8 : memref<!tpu.dma_semaphore, #tpu.memory_space<semaphore_mem>>) src(%dma_wait3A_77 : memref<1000064xf32, #tpu.memory_space<vmem_shared>>) dst(%arg6 : memref<12800xf32, #tpu.memory_space<vmem>>)
      %mul3A_78 = arith.constant 32 : i32
      %mul3A_79 = arith.muli %arg0, %mul3A_78 : i32
      %add3A_80 = arith.addi %mul3A_79, %scan3A_18 : i32
      %add3A_81 = arith.constant 0 : i32
      %add3A_82 = arith.addi %mul3A_0, %add3A_81 : i32
      %scan3A_83 = arith.constant 0 : i32
      %scan3A_84 = arith.constant 0 : i32
      %scan3A_85 = arith.constant 100 : i32
      %scan3A_86 = arith.addi %scan3A_84, %scan3A_85 : i32
      %scan3A_87 = arith.constant 1 : i32
      scf.for %scan3A_140 = %scan3A_84 to %scan3A_86 step %scan3A_87  : i32 {
        %mul3A_141 = arith.constant 128 : i32
        %mul3A_142 = arith.muli %scan3A_140, %mul3A_141 : i32
        %add3A_143 = arith.constant 100 : i32
        %add3A_144 = arith.addi %add3A_143, %scan3A_140 : i32
        %dma_start3A_145 = tpu.memref_slice %arg6[%mul3A_142] : memref<12800xf32, #tpu.memory_space<vmem>> -> memref<128xf32, #tpu.memory_space<vmem>>
        %dma_start3A_146 = tpu.memref_slice %arg4[%add3A_144, %add3A_80, %add3A_82] : memref<200x64x4096xf32, #tpu.memory_space<hbm>> -> memref<1x1x128xf32, #tpu.memory_space<hbm>>
        %dma_start3A_147 = tpu.memref_squeeze %dma_start3A_146 : memref<1x1x128xf32, #tpu.memory_space<hbm>> -> memref<128xf32, #tpu.memory_space<hbm>>
        %dma_start3A_148 = tpu.memref_slice %arg4[%add3A_144, %add3A_80, %add3A_82] : memref<200x64x4096xf32, #tpu.memory_space<hbm>> -> memref<1x1x128xf32, #tpu.memory_space<hbm>>
        %dma_start3A_149 = tpu.memref_squeeze %dma_start3A_148 : memref<1x1x128xf32, #tpu.memory_space<hbm>> -> memref<128xf32, #tpu.memory_space<hbm>>
        %dma_start3A_150 = tpu.memref_slice %arg6[%mul3A_142] : memref<12800xf32, #tpu.memory_space<vmem>> -> memref<128xf32, #tpu.memory_space<vmem>>
        tpu.enqueue_dma source(%dma_start3A_150 : memref<128xf32, #tpu.memory_space<vmem>>) target(%dma_start3A_149 : memref<128xf32, #tpu.memory_space<hbm>>) target_semaphore(%arg9 : memref<!tpu.dma_semaphore, #tpu.memory_space<semaphore_mem>>)
      }
      %scan3A_88 = arith.constant 100 : i32
      %scan3A_89 = arith.constant 0 : i32
      %scan3A_90 = arith.constant 0 : i32
      %scan3A_91 = arith.constant 100 : i32
      %scan3A_92 = arith.addi %scan3A_90, %scan3A_91 : i32
      %scan3A_93 = arith.constant 1 : i32
      scf.for %scan3A_140 = %scan3A_90 to %scan3A_92 step %scan3A_93  : i32 {
        %dma_wait3A_141 = arith.constant 0 : i32
        %dma_wait3A_142 = arith.constant 0 : i32
        %dma_wait3A_143 = arith.constant 0 : i32
        %dma_wait3A_144 = tpu.memref_slice %arg6[%dma_wait3A_143] : memref<12800xf32, #tpu.memory_space<vmem>> -> memref<128xf32, #tpu.memory_space<vmem>>
        %dma_wait3A_145 = arith.constant 0 : i32
        %dma_wait3A_146 = tpu.memref_slice %arg4[%dma_wait3A_141, %dma_wait3A_142, %dma_wait3A_145] : memref<200x64x4096xf32, #tpu.memory_space<hbm>> -> memref<1x1x128xf32, #tpu.memory_space<hbm>>
        %dma_wait3A_147 = tpu.memref_squeeze %dma_wait3A_146 : memref<1x1x128xf32, #tpu.memory_space<hbm>> -> memref<128xf32, #tpu.memory_space<hbm>>
        %dma_wait3A_148 = arith.constant 0 : i32
        %dma_wait3A_149 = tpu.memref_slice %arg4[%dma_wait3A_141, %dma_wait3A_142, %dma_wait3A_148] : memref<200x64x4096xf32, #tpu.memory_space<hbm>> -> memref<1x1x128xf32, #tpu.memory_space<hbm>>
        %dma_wait3A_150 = tpu.memref_squeeze %dma_wait3A_149 : memref<1x1x128xf32, #tpu.memory_space<hbm>> -> memref<128xf32, #tpu.memory_space<hbm>>
        %dma_wait3A_151 = arith.constant 0 : i32
        %dma_wait3A_152 = tpu.memref_slice %arg6[%dma_wait3A_151] : memref<12800xf32, #tpu.memory_space<vmem>> -> memref<128xf32, #tpu.memory_space<vmem>>
        tpu.wait_dma2 semaphore(%arg9 : memref<!tpu.dma_semaphore, #tpu.memory_space<semaphore_mem>>) src(%dma_wait3A_152 : memref<128xf32, #tpu.memory_space<vmem>>) dst(%dma_wait3A_150 : memref<128xf32, #tpu.memory_space<hbm>>)
      }
      %scan3A_94 = arith.constant 100 : i32
      %dma_start3A_95 = arith.constant 25600 : i32
      %dma_start3A_96 = tpu.memref_slice %arg5[%dma_start3A_95] : memref<51200xi32, #tpu.memory_space<vmem>> -> memref<12800xi32, #tpu.memory_space<vmem>>
      %dma_start3A_97 = arith.constant 0 : i32
      %dma_start3A_98 = tpu.memref_slice %arg10[%dma_start3A_97] : memref<1000064xf32, #tpu.memory_space<vmem_shared>> -> memref<1000064xf32, #tpu.memory_space<vmem_shared>>
      tpu.enqueue_indirect_dma source(%dma_start3A_98 : memref<1000064xf32, #tpu.memory_space<vmem_shared>>) target(%arg6 : memref<12800xf32, #tpu.memory_space<vmem>>) offsets(%dma_start3A_96 : memref<12800xi32, #tpu.memory_space<vmem>>) semaphore(%arg8 : memref<!tpu.dma_semaphore, #tpu.memory_space<semaphore_mem>>)
      %dma_wait3A_99 = arith.constant 25600 : i32
      %dma_wait3A_100 = tpu.memref_slice %arg5[%dma_wait3A_99] : memref<51200xi32, #tpu.memory_space<vmem>> -> memref<12800xi32, #tpu.memory_space<vmem>>
      %dma_wait3A_101 = arith.constant 0 : i32
      %dma_wait3A_102 = tpu.memref_slice %arg10[%dma_wait3A_101] : memref<1000064xf32, #tpu.memory_space<vmem_shared>> -> memref<1000064xf32, #tpu.memory_space<vmem_shared>>
      tpu.wait_indirect_dma semaphore(%arg8 : memref<!tpu.dma_semaphore, #tpu.memory_space<semaphore_mem>>) src(%dma_wait3A_102 : memref<1000064xf32, #tpu.memory_space<vmem_shared>>) dst(%arg6 : memref<12800xf32, #tpu.memory_space<vmem>>)
      %mul3A_103 = arith.constant 32 : i32
      %mul3A_104 = arith.muli %arg0, %mul3A_103 : i32
      %add3A_105 = arith.addi %mul3A_104, %scan3A_18 : i32
      %add3A_106 = arith.constant 128 : i32
      %add3A_107 = arith.addi %mul3A_0, %add3A_106 : i32
      %scan3A_108 = arith.constant 0 : i32
      %scan3A_109 = arith.constant 0 : i32
      %scan3A_110 = arith.constant 100 : i32
      %scan3A_111 = arith.addi %scan3A_109, %scan3A_110 : i32
      %scan3A_112 = arith.constant 1 : i32
      scf.for %scan3A_140 = %scan3A_109 to %scan3A_111 step %scan3A_112  : i32 {
        %mul3A_141 = arith.constant 128 : i32
        %mul3A_142 = arith.muli %scan3A_140, %mul3A_141 : i32
        %add3A_143 = arith.constant 0 : i32
        %add3A_144 = arith.addi %add3A_143, %scan3A_140 : i32
        %dma_start3A_145 = tpu.memref_slice %arg6[%mul3A_142] : memref<12800xf32, #tpu.memory_space<vmem>> -> memref<128xf32, #tpu.memory_space<vmem>>
        %dma_start3A_146 = tpu.memref_slice %arg4[%add3A_144, %add3A_105, %add3A_107] : memref<200x64x4096xf32, #tpu.memory_space<hbm>> -> memref<1x1x128xf32, #tpu.memory_space<hbm>>
        %dma_start3A_147 = tpu.memref_squeeze %dma_start3A_146 : memref<1x1x128xf32, #tpu.memory_space<hbm>> -> memref<128xf32, #tpu.memory_space<hbm>>
        %dma_start3A_148 = tpu.memref_slice %arg4[%add3A_144, %add3A_105, %add3A_107] : memref<200x64x4096xf32, #tpu.memory_space<hbm>> -> memref<1x1x128xf32, #tpu.memory_space<hbm>>
        %dma_start3A_149 = tpu.memref_squeeze %dma_start3A_148 : memref<1x1x128xf32, #tpu.memory_space<hbm>> -> memref<128xf32, #tpu.memory_space<hbm>>
        %dma_start3A_150 = tpu.memref_slice %arg6[%mul3A_142] : memref<12800xf32, #tpu.memory_space<vmem>> -> memref<128xf32, #tpu.memory_space<vmem>>
        tpu.enqueue_dma source(%dma_start3A_150 : memref<128xf32, #tpu.memory_space<vmem>>) target(%dma_start3A_149 : memref<128xf32, #tpu.memory_space<hbm>>) target_semaphore(%arg9 : memref<!tpu.dma_semaphore, #tpu.memory_space<semaphore_mem>>)
      }
      %scan3A_113 = arith.constant 100 : i32
      %scan3A_114 = arith.constant 0 : i32
      %scan3A_115 = arith.constant 0 : i32
      %scan3A_116 = arith.constant 100 : i32
      %scan3A_117 = arith.addi %scan3A_115, %scan3A_116 : i32
      %scan3A_118 = arith.constant 1 : i32
      scf.for %scan3A_140 = %scan3A_115 to %scan3A_117 step %scan3A_118  : i32 {
        %dma_wait3A_141 = arith.constant 0 : i32
        %dma_wait3A_142 = arith.constant 0 : i32
        %dma_wait3A_143 = arith.constant 0 : i32
        %dma_wait3A_144 = tpu.memref_slice %arg6[%dma_wait3A_143] : memref<12800xf32, #tpu.memory_space<vmem>> -> memref<128xf32, #tpu.memory_space<vmem>>
        %dma_wait3A_145 = arith.constant 0 : i32
        %dma_wait3A_146 = tpu.memref_slice %arg4[%dma_wait3A_141, %dma_wait3A_142, %dma_wait3A_145] : memref<200x64x4096xf32, #tpu.memory_space<hbm>> -> memref<1x1x128xf32, #tpu.memory_space<hbm>>
        %dma_wait3A_147 = tpu.memref_squeeze %dma_wait3A_146 : memref<1x1x128xf32, #tpu.memory_space<hbm>> -> memref<128xf32, #tpu.memory_space<hbm>>
        %dma_wait3A_148 = arith.constant 0 : i32
        %dma_wait3A_149 = tpu.memref_slice %arg4[%dma_wait3A_141, %dma_wait3A_142, %dma_wait3A_148] : memref<200x64x4096xf32, #tpu.memory_space<hbm>> -> memref<1x1x128xf32, #tpu.memory_space<hbm>>
        %dma_wait3A_150 = tpu.memref_squeeze %dma_wait3A_149 : memref<1x1x128xf32, #tpu.memory_space<hbm>> -> memref<128xf32, #tpu.memory_space<hbm>>
        %dma_wait3A_151 = arith.constant 0 : i32
        %dma_wait3A_152 = tpu.memref_slice %arg6[%dma_wait3A_151] : memref<12800xf32, #tpu.memory_space<vmem>> -> memref<128xf32, #tpu.memory_space<vmem>>
        tpu.wait_dma2 semaphore(%arg9 : memref<!tpu.dma_semaphore, #tpu.memory_space<semaphore_mem>>) src(%dma_wait3A_152 : memref<128xf32, #tpu.memory_space<vmem>>) dst(%dma_wait3A_150 : memref<128xf32, #tpu.memory_space<hbm>>)
      }
      %scan3A_119 = arith.constant 100 : i32
      %dma_start3A_120 = arith.constant 38400 : i32
      %dma_start3A_121 = tpu.memref_slice %arg5[%dma_start3A_120] : memref<51200xi32, #tpu.memory_space<vmem>> -> memref<12800xi32, #tpu.memory_space<vmem>>
      %dma_start3A_122 = arith.constant 0 : i32
      %dma_start3A_123 = tpu.memref_slice %arg10[%dma_start3A_122] : memref<1000064xf32, #tpu.memory_space<vmem_shared>> -> memref<1000064xf32, #tpu.memory_space<vmem_shared>>
      tpu.enqueue_indirect_dma source(%dma_start3A_123 : memref<1000064xf32, #tpu.memory_space<vmem_shared>>) target(%arg6 : memref<12800xf32, #tpu.memory_space<vmem>>) offsets(%dma_start3A_121 : memref<12800xi32, #tpu.memory_space<vmem>>) semaphore(%arg8 : memref<!tpu.dma_semaphore, #tpu.memory_space<semaphore_mem>>)
      %dma_wait3A_124 = arith.constant 38400 : i32
      %dma_wait3A_125 = tpu.memref_slice %arg5[%dma_wait3A_124] : memref<51200xi32, #tpu.memory_space<vmem>> -> memref<12800xi32, #tpu.memory_space<vmem>>
      %dma_wait3A_126 = arith.constant 0 : i32
      %dma_wait3A_127 = tpu.memref_slice %arg10[%dma_wait3A_126] : memref<1000064xf32, #tpu.memory_space<vmem_shared>> -> memref<1000064xf32, #tpu.memory_space<vmem_shared>>
      tpu.wait_indirect_dma semaphore(%arg8 : memref<!tpu.dma_semaphore, #tpu.memory_space<semaphore_mem>>) src(%dma_wait3A_127 : memref<1000064xf32, #tpu.memory_space<vmem_shared>>) dst(%arg6 : memref<12800xf32, #tpu.memory_space<vmem>>)
      %mul3A_128 = arith.constant 32 : i32
      %mul3A_129 = arith.muli %arg0, %mul3A_128 : i32
      %add3A_130 = arith.addi %mul3A_129, %scan3A_18 : i32
      %add3A_131 = arith.constant 128 : i32
      %add3A_132 = arith.addi %mul3A_0, %add3A_131 : i32
      %scan3A_133 = arith.constant 0 : i32
      %scan3A_134 = arith.constant 0 : i32
      %scan3A_135 = arith.constant 100 : i32
      %scan3A_136 = arith.addi %scan3A_134, %scan3A_135 : i32
      %scan3A_137 = arith.constant 1 : i32
      scf.for %scan3A_140 = %scan3A_134 to %scan3A_136 step %scan3A_137  : i32 {
        %mul3A_141 = arith.constant 128 : i32
        %mul3A_142 = arith.muli %scan3A_140, %mul3A_141 : i32
        %add3A_143 = arith.constant 100 : i32
        %add3A_144 = arith.addi %add3A_143, %scan3A_140 : i32
        %dma_start3A_145 = tpu.memref_slice %arg6[%mul3A_142] : memref<12800xf32, #tpu.memory_space<vmem>> -> memref<128xf32, #tpu.memory_space<vmem>>
        %dma_start3A_146 = tpu.memref_slice %arg4[%add3A_144, %add3A_130, %add3A_132] : memref<200x64x4096xf32, #tpu.memory_space<hbm>> -> memref<1x1x128xf32, #tpu.memory_space<hbm>>
        %dma_start3A_147 = tpu.memref_squeeze %dma_start3A_146 : memref<1x1x128xf32, #tpu.memory_space<hbm>> -> memref<128xf32, #tpu.memory_space<hbm>>
        %dma_start3A_148 = tpu.memref_slice %arg4[%add3A_144, %add3A_130, %add3A_132] : memref<200x64x4096xf32, #tpu.memory_space<hbm>> -> memref<1x1x128xf32, #tpu.memory_space<hbm>>
        %dma_start3A_149 = tpu.memref_squeeze %dma_start3A_148 : memref<1x1x128xf32, #tpu.memory_space<hbm>> -> memref<128xf32, #tpu.memory_space<hbm>>
        %dma_start3A_150 = tpu.memref_slice %arg6[%mul3A_142] : memref<12800xf32, #tpu.memory_space<vmem>> -> memref<128xf32, #tpu.memory_space<vmem>>
        tpu.enqueue_dma source(%dma_start3A_150 : memref<128xf32, #tpu.memory_space<vmem>>) target(%dma_start3A_149 : memref<128xf32, #tpu.memory_space<hbm>>) target_semaphore(%arg9 : memref<!tpu.dma_semaphore, #tpu.memory_space<semaphore_mem>>)
      }
      %scan3A_138 = arith.constant 100 : i32
      %barrier3A_139 = arith.constant 0 : index
      tpu.barrier barrier_id(%barrier3A_139)
    }
    %scan3A_11 = arith.constant 32 : i32
    %scan3A_12 = arith.constant 0 : i32
    %scan3A_13 = arith.constant 0 : i32
    %scan3A_14 = arith.constant 100 : i32
    %scan3A_15 = arith.addi %scan3A_13, %scan3A_14 : i32
    %scan3A_16 = arith.constant 1 : i32
    scf.for %scan3A_18 = %scan3A_13 to %scan3A_15 step %scan3A_16  : i32 {
      %dma_wait3A = arith.constant 0 : i32
      %dma_wait3A_19 = arith.constant 0 : i32
      %dma_wait3A_20 = arith.constant 0 : i32
      %dma_wait3A_21 = tpu.memref_slice %arg6[%dma_wait3A_20] : memref<12800xf32, #tpu.memory_space<vmem>> -> memref<128xf32, #tpu.memory_space<vmem>>
      %dma_wait3A_22 = arith.constant 0 : i32
      %dma_wait3A_23 = tpu.memref_slice %arg4[%dma_wait3A, %dma_wait3A_19, %dma_wait3A_22] : memref<200x64x4096xf32, #tpu.memory_space<hbm>> -> memref<1x1x128xf32, #tpu.memory_space<hbm>>
      %dma_wait3A_24 = tpu.memref_squeeze %dma_wait3A_23 : memref<1x1x128xf32, #tpu.memory_space<hbm>> -> memref<128xf32, #tpu.memory_space<hbm>>
      %dma_wait3A_25 = arith.constant 0 : i32
      %dma_wait3A_26 = tpu.memref_slice %arg4[%dma_wait3A, %dma_wait3A_19, %dma_wait3A_25] : memref<200x64x4096xf32, #tpu.memory_space<hbm>> -> memref<1x1x128xf32, #tpu.memory_space<hbm>>
      %dma_wait3A_27 = tpu.memref_squeeze %dma_wait3A_26 : memref<1x1x128xf32, #tpu.memory_space<hbm>> -> memref<128xf32, #tpu.memory_space<hbm>>
      %dma_wait3A_28 = arith.constant 0 : i32
      %dma_wait3A_29 = tpu.memref_slice %arg6[%dma_wait3A_28] : memref<12800xf32, #tpu.memory_space<vmem>> -> memref<128xf32, #tpu.memory_space<vmem>>
      tpu.wait_dma2 semaphore(%arg9 : memref<!tpu.dma_semaphore, #tpu.memory_space<semaphore_mem>>) src(%dma_wait3A_29 : memref<128xf32, #tpu.memory_space<vmem>>) dst(%dma_wait3A_27 : memref<128xf32, #tpu.memory_space<hbm>>)
    }
    %scan3A_17 = arith.constant 100 : i32
    return
  }
}

</mosaic_0001>

<sc_bundles>
// kernel: kernel.3.cloned.1.call-start
scs
__scs_entry_jumppad:
0x0: {  	(pc) =	sbr.rel $0x88, $3  }
0x1: {  	(tag) =	ssettag $0x0;
	lr =	simm.s32 $0x1  }
0x2: {  	[smem:$0x3F9F] =	sst lr;
	_ =	strace $0xD0000000  }
0x3: {  	_ = 	snop  }
0x4: {  	_ = 	snop  }
0x5: {  	_ = 	snop  }
0x6: {  	_ = 	snop  }
0x7: {  	_ = 	snop  }
__scs_overlays_trampoline_lowered:
0x8: {  	[smem:$0x3FAE] =	sst s0  }
0x9: {  	[smem:$0x3FAF] =	sst s1  }
0xa: {  	[smem:$0x3FB0] =	sst s2  }
0xb: {  	[smem:$0x3FB1] =	sst s3  }
0xc: {  	[smem:$0x3FB2] =	sst s4  }
0xd: {  	[smem:$0x3FB3] =	sst s5  }
0xe: {  	[smem:$0x3FB4] =	sst s6  }
0xf: {  	[smem:$0x3FB5] =	sst s7  }
0x10: {  	[smem:$0x3FB6] =	sst s8  }
0x11: {  	[smem:$0x3FB7] =	sst s9;
	s0 =	simm.s32 @!p0 $0x0  }
0x12: {  	s1 =	sld [smem:$0x3F9D];
	s0 =	simm.s32 @p0 $0x1  }
0x13: {  	[smem:$0x3FB8] =	sst s0;
	s0 =	simm.s32 @!p1 $0x0  }
0x14: {  	s2 =	sld [smem:$0x3F9C];
	s0 =	simm.s32 @p1 $0x1  }
0x15: {  	[smem:$0x3FB9] =	sst s0;
	s0 =	simm.s32 @!p2 $0x0  }
0x16: {  	s3 =	sld [smem:$0x3FDB];
	s0 =	simm.s32 @p2 $0x1  }
0x17: {  	s4 =	simm.s32 $0x1BF5;
	[smem:$0x3FBB] =	sst s0  }
0x18: {  	s0 =	sld [smem:$0x3F9E];
	_ =	swait.ge [sflag:s4], $0x0  }
0x19: {  	s7 =	sld [smem:$0x3F9F]  }
0x1a: {  	s8 =	sadd.s32 $0xFFFFE003, lr  }
0x1b: {  	s9 =	sadd.s32 $0xFFFFFEF7, lr;
	s5 =	simm.s32 $0xFFFFFFFF;
	p2 =	slt.u32 s8, $0xFFFFF086  }
0x1c: {  	p1 =	slt.u32 s9, $0xF7A;
	s5 =	simm.s32 @!p2 $0x0  }
0x1d: {  	s5 =	simm.s32 @p1 $0x1;
	p0 =	seq.s32 s7, s2  }
0x1e: {  	s7 =	smul.u32 @!p0 $0xF7A, s2;
	p2 =	seq.s32 @!p0 s5, $0x0  }
0x1f: {  	s9 =	smul.u32 $0xF7A, s1;
	s8 =	simm.s32 @!p0 $0x1BF5;
	p2 =	por !p2, p0  }
0x20: {  	[sflag:s8] =	ssyncset.s32 @!p0 $0xFFFFF086;
	s6 =	sadd.s32 @!p0 s3, s7;
	s7 =	simm.s32 @!p0 $0x108  }
0x21: {  	s3 =	sadd.s32 s3, s9;
	s6 =	sadd.s32 @!p0 $0x88, s6;
	s7 =	simm.s32 @p2 $0x1082  }
0x22: {  	[simem:s7], [sflag:s8] =	dma.local @!p0 [hbm:s6], $0xF7A  }
0x23: {  	s9 =	sor.u32 $0xD0000000, s2;
	s6 =	simm.s32 $0x108;
	_ =	swait.ge @!p0 [sflag:s8], $0x0  }
0x24: {  	s3 =	sadd.s32 $0x88, s3;
	s6 =	simm.s32 @!p1 $0x1082;
	[sflag:s4] =	ssyncset.s32 $0xFFFFF086  }
0x25: {  	[simem:s6], [sflag:s4] =	dma.local [hbm:s3], $0xF7A  }
0x26: {  	[smem:$0x3F9F] =	sst s1;
	(tag) =	ssettag s2;
	_ =	strace s9  }
0x27: {  	s1 =	sld [smem:$0x3FAF]  }
0x28: {  	s2 =	sld [smem:$0x3FB0]  }
0x29: {  	s4 =	sld [smem:$0x3FB2]  }
0x2a: {  	p0 =	seq.s32 s5, $0x0;
	s5 =	sld [smem:$0x3FB3]  }
0x2b: {  	s6 =	sld [smem:$0x3FB4]  }
0x2c: {  	s7 =	sld [smem:$0x3FB5]  }
0x2d: {  	s3 =	simm.s32 $0x108;
	s8 =	sld [smem:$0x3FB6]  }
0x2e: {  	s3 =	simm.s32 @!p0 $0x1082;
	s9 =	sld [smem:$0x3FB7]  }
0x2f: {  	lr =	sadd.s32 s0, s3;
	s0 =	sld [smem:$0x3FAE]  }
0x30: {  	s3 =	sld [smem:$0x3FB1]  }
0x31: {  	[smem:$0x3FBA] =	sst s10  }
0x32: {  	s10 =	sld [smem:$0x3FB8];
	_ =	sdelay $0x3  }
0x33: {  	p0 =	seq.s32 s10, $0x1;
	s10 =	sld [smem:$0x3FBA];
	_ =	sdelay $0x3  }
0x34: {  	[smem:$0x3FBA] =	sst s10  }
0x35: {  	s10 =	sld [smem:$0x3FB9];
	_ =	sdelay $0x3  }
0x36: {  	p1 =	seq.s32 s10, $0x1;
	s10 =	sld [smem:$0x3FBA];
	_ =	sdelay $0x3  }
0x37: {  	[smem:$0x3FBA] =	sst s10  }
0x38: {  	s10 =	sld [smem:$0x3FBB]  }
0x39: {  	_ = 	snop;
	(pc) =	sbr.ind lr, $3  }
0x3a: {  	_ = 	snop  }
0x3b: {  	_ = 	snop  }
0x3c: {  	p2 =	seq.s32 s10, $0x1;
	s10 =	sld [smem:$0x3FBA]  }
0x3d: {  	_ =	shalt  }
0x3e: {  	_ =	shalt  }
0x3f: {  	_ =	shalt  }
0x40: {  	_ =	shalt  }
0x41: {  	_ =	shalt  }
0x42: {  	_ =	shalt  }
0x43: {  	_ =	shalt  }
0x44: {  	_ =	shalt  }
0x45: {  	_ =	shalt  }
0x46: {  	_ =	shalt  }
0x47: {  	_ =	shalt  }
0x48: {  	_ =	shalt  }
0x49: {  	_ =	shalt  }
0x4a: {  	_ =	shalt  }
0x4b: {  	_ =	shalt  }
0x4c: {  	_ =	shalt  }
0x4d: {  	_ =	shalt  }
0x4e: {  	_ =	shalt  }
0x4f: {  	_ =	shalt  }
0x50: {  	_ =	shalt  }
0x51: {  	_ =	shalt  }
0x52: {  	_ =	shalt  }
0x53: {  	_ =	shalt  }
0x54: {  	_ =	shalt  }
0x55: {  	_ =	shalt  }
0x56: {  	_ =	shalt  }
0x57: {  	_ =	shalt  }
0x58: {  	_ =	shalt  }
0x59: {  	_ =	shalt  }
0x5a: {  	_ =	shalt  }
0x5b: {  	_ =	shalt  }
0x5c: {  	_ =	shalt  }
0x5d: {  	_ =	shalt  }
0x5e: {  	_ =	shalt  }
0x5f: {  	_ =	shalt  }
0x60: {  	_ =	shalt  }
0x61: {  	_ =	shalt  }
0x62: {  	_ =	shalt  }
0x63: {  	_ =	shalt  }
0x64: {  	_ =	shalt  }
0x65: {  	_ =	shalt  }
0x66: {  	_ =	shalt  }
0x67: {  	_ =	shalt  }
0x68: {  	_ =	shalt  }
0x69: {  	_ =	shalt  }
0x6a: {  	_ =	shalt  }
0x6b: {  	_ =	shalt  }
0x6c: {  	_ =	shalt  }
0x6d: {  	_ =	shalt  }
0x6e: {  	_ =	shalt  }
0x6f: {  	_ =	shalt  }
0x70: {  	_ =	shalt  }
0x71: {  	_ =	shalt  }
0x72: {  	_ =	shalt  }
0x73: {  	_ =	shalt  }
0x74: {  	_ =	shalt  }
0x75: {  	_ =	shalt  }
0x76: {  	_ =	shalt  }
0x77: {  	_ =	shalt  }
0x78: {  	_ =	shalt  }
0x79: {  	_ =	shalt  }
0x7a: {  	_ =	shalt  }
0x7b: {  	_ =	shalt  }
0x7c: {  	_ =	shalt  }
0x7d: {  	_ =	shalt  }
0x7e: {  	_ =	shalt  }
0x7f: {  	_ =	shalt  }
0x80: {  	_ =	shalt  }
0x81: {  	_ =	shalt  }
0x82: {  	_ =	shalt  }
0x83: {  	_ =	shalt  }
0x84: {  	_ =	shalt  }
0x85: {  	_ =	shalt  }
0x86: {  	_ =	shalt  }
0x87: {  	_ =	shalt  }
.Lfunc_end0:
.L_simem_size_0:
called_computation_lowered:
.L_overlay_start_0:
0x88: {  	s2 =	sld [smem:$0x3FD9]  }
0x89: {  	s3 =	sld [smem:$0x3FFE];
	_ =	sdelay $0x1  }
0x8a: {  	s1 =	srdreg.scid  }
0x8b: {  	s0 =	sand.u32 $0x1, s1  }
0x8c: {  	s18 =	sshll.u32 s0, $0xA;
	s2 =	sadd.s32 s3, s2  }
0x8d: {  	s2 =	sadd.s32 s2, s18  }
0x8e: {  	[smem:$0x3FC6] =	sst s2  }
0x8f: {  	_ = 	snop  }
0x90: {  	s2 =	sld [smem:$0x3FC9]  }
0x91: {  	s19 =	sld [smem:$0x3FC8]  }
0x92: {  	s4 =	sld [smem:$0x3FD0];
	(tm) =	ssettm $0x1  }
0x93: {  	s5 =	sld [smem:$0x3FFB];
	_ =	sdelay $0x3  }
0x94: {  	_ =	strace s5  }
0x95: {  	s5 =	sld [smem:$0x3FFC];
	_ =	sdelay $0x3  }
0x96: {  	_ =	strace s5  }
0x97: {  	s5 =	sld [smem:$0x3FFD];
	_ =	sdelay $0x3  }
0x98: {  	_ =	strace s5  }
0x99: {  	_ =	strace $0x8FFFFFFF  }
0x9a: {  	s20 =	sld [smem:$0x3FDB];
	_ =	sdelay $0x1  }
0x9b: {  	s6 =	simm.s32 $_scs_section_size  }
0x9c: {  	s7 =	simm.s32 $_size__tile_overlayer_lowered;
	s8 =	simm.s32 $_tile_overlayer_lowered  }
0x9d: {  	s23 =	simm.s32 $0x1BFF;
	s22 =	sshll.u32 s8, $0x1;
	s5 =	sadd.s32 s6, s20  }
0x9e: {  	s9 =	simm.s32 $0x0;
	s21 =	sshll.u32 s7, $0x1;
	s7 =	sadd.s32 s22, s5  }
0x9f: {  	[timem:s9], [sflag:s23] =	dma.local [hbm:s7], s21  }
0xa0: {  	_ =	swait.ge [sflag:s23], s21  }
0xa1: {  	s6 =	ssub.s32 $0x0, s21;
	[sflag:s23] =	ssyncset.done $0x0  }
0xa2: {  	[sflag:s23] =	ssyncadd.s32 s6;
	_ =	sdelay $0x1  }
0xa3: {  	s24 =	simm.s32 $0x1B8B  }
0xa4: {  	_ =	swait.ge [sflag:s24], $0x1  }
0xa5: {  	[sflag:s24] =	ssyncset.done $0x0  }
0xa6: {  	s25 =	simm.s32 $0x1B8E;
	[sflag:s24] =	ssyncadd.s32 $0xFFFFFFFF  }
0xa7: {  	s26 =	simm.s32 $execute0_lowered;
	[smem:$0x3FD2] =	sst s25  }
0xa8: {  	s6 =	sshll.u32 s26, $0x1;
	_ =	strace $0x80000046;
	[dreg:$0x1] =	wrdreg $0xFFFFFFFF  }
0xa9: {  	s28 =	simm.s32 $_size_execute0_lowered;
	s5 =	sadd.s32 s5, s6;
	[dreg:$0x0] =	wrdreg $0x0  }
0xaa: {  	s6 =	sshll.u32 s28, $0x1;
	[dreg:$0x2] =	wrdreg s5  }
0xab: {  	[dreg:$0x3] =	wrdreg s6  }
0xac: {  	[dreg:$0x4] =	wrdreg $0xC0  }
0xad: {  	_ =	task [dreg:s9], $0x5FFFF  }
0xae: {  	[dreg:$0x1] =	wrdreg $0xFFFFFFFF  }
0xaf: {  	[dreg:$0x0] =	wrdreg $0x60  }
0xb0: {  	[dreg:$0x2] =	wrdreg s19  }
0xb1: {  	[dreg:$0x3] =	wrdreg s2  }
0xb2: {  	[dreg:$0x4] =	wrdreg s4  }
0xb3: {  	[dreg:$0x5] =	wrdreg $0xFA000  }
0xb4: {  	[dreg:$0x6] =	wrdreg $0x9  }
0xb5: {  	_ =	task.clear_ibuf [dreg:s9], $0x7FFFF;
	_ =	strace $0x90000046  }
0xb6: {  	s29 =	simm.s32 $0x9;
	_ =	strace $0x80000048  }
0xb7: {  	_ =	swait.ge [sflag:s29], $0x1  }
0xb8: {  	[sflag:s29] =	ssyncadd.s32 $0xFFFFFFFF  }
0xb9: {  	_ =	strace $0x90000048  }
0xba: {  	_ =	sfence  }
0xbb: {  	s30 =	sld [smem:$0x0];
	_ =	sdelay $0x2  }
0xbc: {  	s31 =	sshll.u32 s1, $0xD;
	s1 =	sshrl.u32 s1, $0x2  }
0xbd: {  	s3 =	sand.u32 $0x4000, s31;
	s1 =	sadd.s32 s1, s30  }
0xbe: {  	s0 =	sor.u32 s3, s0;
	s1 =	sshll.u32 s1, $0x11  }
0xbf: {  	s0 =	sor.u32 s1, s0  }
0xc0: {  	s0 =	sadd.s32 $0x8F2B, s0  }
0xc1: {  	[sflag:s0] =	ssyncadd.remote.s32 $0x1  }
0xc2: {  	_ =	sfence.sel $0xFFFF  }
0xc3: {  	[dreg:$0x0] =	wrdreg $0xFFFFFFFF;
	(pc) =	sbr.abs _section_cstart, $3  }
0xc4: {  	[dreg:$0x1] =	wrdreg $0xFFFFFFFF  }
0xc5: {  	_ =	task.clear_ibuf [dreg:s9], $0x2FFFF;
	_ =	strace $0x9FFFFFFF  }
0xc6: {  	(tm) =	ssettm $0x7FFFFFFF  }
0xc7: {  	_ =	shalt  }
tec
execute0_lowered:
.L_overlay_start_1:
0x0: {  	(tag) =	ssettag $0x1  }
0x1: {  	s2 =	rddreg [dreg:$0x1]  }
0x2: {  	s3 =	rddreg [dreg:$0x2]  }
0x3: {  	s4 =	rddreg [dreg:$0x3];
	s0 =	srdreg.scid;
	s6 =	simm.s32 $0x0  }
0x4: {  	s12 =	stileid.u32;
	s15 =	simm.s32 $0x1;
	s18 =	simm.s32 $0x80  }
0x5: {  	s20 =	simm.s32 $0x3200;
	s21 =	simm.s32 $0xC800;
	s22 =	simm.s32 $0x2  }
0x6: {  	s23 =	simm.s32 $0x3;
	s24 =	simm.s32 $0x6400;
	s25 =	simm.s32 $0x9600  }
0x7: {  	s0 =	sand.u32 $0x1, s0;
	[smem:$0x7FF] =	sst s6;
	s9 =	smul.u32 $0x3D000, s12  }
0x8: {  	s7 =	sshll.u32 s12, $0xB;
	s10 =	sshll.u32 s12, $0x7;
	s11 =	smul.u32 $0xF400, s12  }
0x9: {  	p0 =	sgt.u32 s12, $0x4;
	s1 =	ssub.s32 $0x2, s0;
	_ =	strace $0x80000047  }
0xa: {  	s8 =	sor.u32 $0x400, s7;
	s10 =	sor.u32 $0xF4000, s10;
	s13 =	sor.u32 $0x1900000, s7  }
0xb: {  	s14 =	sor.u32 $0x1900400, s7;
	s5 =	sshrl.u32 s1, $0x1;
	s30 =	sshrl.u32 s9, $0x2  }
0xc: {  	s9 =	sshll.u32 s0, $0x5;
	s1 =	ssub.s32 s1, s5;
	s31 =	sadd.s32 s30, s4  }
0xd: {  	s5 =	sadd.s32 s10, s4;
	s1 =	smax.u32 s1, $0x1;
	s16 =	sshrl.u32 s31, $0x3  }
0xe: {  	s19 =	sshrl.u32 @!p0 s5, $0x3;
	[dreg:$0x5] =	wrdreg s1;
	s1 =	simm.s32 $0x0  }
.LBB2_1:
0xf: {  	[dreg:$0x6] =	wrdreg s1;
	s28 =	simm.s32 $0x6400  }
0x10: {  	s29 =	simm.s32 $0x0;
	s30 =	simm.s32 $0x0;
	s31 =	simm.s32 $0x0  }
.LBB2_2:
0x11: {  	s0 =	sand.u32 $0xFFFF8000, s29;
	s1 =	sadd.s32 $0x0, s30  }
0x12: {  	s5 =	sor.u32 s7, s0;
	s1 =	sand.u32 $0x380, s1  }
0x13: {  	s0 =	sor.u32 s8, s0;
	s5 =	sor.u32 s1, s5  }
0x14: {  	s26 =	sadd.s32 $0xFFFF9C00, s28;
	s0 =	sor.u32 s1, s0;
	s5 =	sshrl.u32 s5, $0x3  }
0x15: {  	s12 =	sadd.s32 $0x1000, s29;
	s0 =	sshrl.u32 s0, $0x3;
	s5 =	sadd.s32 s2, s5  }
0x16: {  	[tilespmem:s26], [sflag:$0x1] =	stream.linear.gather [hbm4b:s5+s6], $0x80, $0x38;
	[tilespmem:$0x1EE28] =	vst v63  }
0x17: {  	s1 =	sand.u32 $0xFFFF8000, s12;
	s0 =	sadd.s32 s2, s0  }
0x18: {  	[tilespmem:s28], [sflag:$0x1] =	stream.linear.gather [hbm4b:s0+s6], $0x80, $0x38;
	[tilespmem:$0x1EE28] =	vst v63  }
0x19: {  	s5 =	sadd.s32 $0x80, s30;
	s26 =	simm.s32 $0x100;
	s0 =	smov.u32 s28  }
.LBB2_3:
0x1a: {  	p1 =	sne.s32 s26, $0xC00;
	s17 =	sor.u32 s7, s1;
	s5 =	sand.u32 $0x380, s5  }
0x1b: {  	s1 =	sor.u32 s8, s1;
	s0 =	sadd.s32 $0x80, s0;
	s17 =	sor.u32 s5, s17  }
0x1c: {  	s1 =	sor.u32 s5, s1;
	s5 =	sadd.s32 $0xFFFF9C00, s0;
	s17 =	sshrl.u32 s17, $0x3  }
.Ltmp0:
0x1d: {  	s1 =	sshrl.u32 s1, $0x3;
	s17 =	sadd.s32 s2, s17;
	(pc) =	sbr.rel @p1 .LBB2_3-.Ltmp0, $4  }
0x1e: {  	[tilespmem:s5], [sflag:$0x1] =	stream.linear.gather [hbm4b:s17+s6], $0x80, $0x38;
	[tilespmem:$0x1EE28] =	vst v63  }
0x1f: {  	s12 =	sadd.s32 $0x1000, s12;
	s1 =	sadd.s32 s2, s1  }
0x20: {  	[tilespmem:s0], [sflag:$0x1] =	stream.linear.gather [hbm4b:s1+s6], $0x80, $0x38;
	[tilespmem:$0x1EE28] =	vst v63  }
0x21: {  	s5 =	sadd.s32 s26, s30;
	s26 =	sadd.s32 $0x80, s26;
	s1 =	sand.u32 $0xFFFF8000, s12  }
0x22: {  	s12 =	sor.u32 s7, s1;
	s5 =	sand.u32 $0x380, s5  }
0x23: {  	s17 =	sor.u32 s8, s1;
	s12 =	sor.u32 s5, s12  }
0x24: {  	s0 =	sadd.s32 $0x80, s0;
	s1 =	sor.u32 s5, s17;
	s12 =	sshrl.u32 s12, $0x3  }
0x25: {  	s26 =	sadd.s32 $0xFFFF9C00, s0;
	s1 =	sshrl.u32 s1, $0x3;
	s12 =	sadd.s32 s2, s12  }
0x26: {  	[tilespmem:s26], [sflag:$0x1] =	stream.linear.gather [hbm4b:s12+s6], $0x80, $0x38;
	[tilespmem:$0x1EE28] =	vst v63  }
0x27: {  	s1 =	sadd.s32 s2, s1  }
0x28: {  	[tilespmem:s0], [sflag:$0x1] =	stream.linear.gather [hbm4b:s1+s6], $0x80, $0x38;
	[tilespmem:$0x1EE28] =	vst v63  }
0x29: {  	_ =	swait.ge [sflag:s15], $0x80  }
0x2a: {  	[sflag:s15] =	ssyncset.done $0x0  }
0x2b: {  	[sflag:s15] =	ssyncadd.s32 $0xFFFFFF80  }
0x2c: {  	_ =	swait.ge [sflag:s15], $0x80  }
0x2d: {  	s0 =	simm.s32 $0x18;
	[sflag:s15] =	ssyncset.done $0x0  }
.LBB2_5:
0x2e: {  	p1 =	sne.s32 s0, $0x1;
	s0 =	sadd.s32 $0xFFFFFFFF, s0;
	[sflag:s15] =	ssyncadd.s32 $0xFFFFFF80  }
.Ltmp1:
0x2f: {  	_ =	swait.ge [sflag:s15], $0x80;
	(pc) =	sbr.rel @p1 .LBB2_5-.Ltmp1, $4  }
0x30: {  	[sflag:s15] =	ssyncset.done $0x0  }
0x31: {  	[sflag:s15] =	ssyncadd.s32 $0xFFFFFF80  }
0x32: {  	_ =	swait.ge [sflag:s15], $0x80  }
0x33: {  	[sflag:s15] =	ssyncset.done $0x0  }
0x34: {  	s31 =	sadd.s32 $0x1, s31  }
0x35: {  	p1 =	sne.s32 s31, $0x8  }
.Ltmp2:
0x36: {  	_ = 	snop;
	(pc) =	sbr.rel @p1 .LBB2_2-.Ltmp2, $3  }
0x37: {  	_ =	sdelay $0x1  }
0x38: {  	[sflag:s15] =	ssyncadd.s32 $0xFFFFFF80  }
0x39: {  	s30 =	sadd.s32 $0xC80, s30;
	s29 =	sadd.s32 $0x19000, s29;
	s28 =	sadd.s32 $0xC80, s28  }
0x3a: {  	s28 =	simm.s32 $0x0;
	s29 =	smov.u32 s9;
	s30 =	simm.s32 $0x0  }
.LBB2_8:
0x3b: {  	s0 =	sadd.s32 s9, s30  }
0x3c: {  	s0 =	sshrl.u32 s0, $0x3  }
0x3d: {  	s1 =	sshll.u32 s30, $0x7;
	s0 =	smul.u32 $0x7A1400, s0  }
0x3e: {  	s1 =	sand.u32 $0x380, s1  }
0x3f: {  	s0 =	sor.u32 s1, s0  }
0x40: {  	s26 =	rddreg [dreg:$0x0];
	s31 =	stileid.u32;
	s0 =	sshrl.u32 s0, $0x3  }
0x41: {  	s1 =	sshll.u32 s31, $0x6;
	s0 =	sadd.s32 s26, s0  }
0x42: {  	s12 =	simm.s32 $0x10;
	s1 =	sor.u32 $0x1C01, s1;
	s5 =	sadd.s32 s11, s0  }
0x43: {  	[spmem:s16@s12], [sflag:s1] =	dma.strided [hbm:s5@s18], $0x1E80, s15, $0x10   }
0x44: {  	s5 =	simm.s32 @p0 $0x1  }
0x45: {  	_ =	swait.ge @p0 [sflag:s5], $0x1E80  }
0x46: {  	[sflag:s5] =	ssyncset.done @p0 $0x0  }
0x47: {  	s0 =	sadd.s32 @!p0 s10, s0;
	[sflag:s5] =	ssyncadd.s32 @p0 $0xFFFFE180  }
0x48: {  	[spmem:s19], [sflag:s1] =	dma.local @!p0 [hbm:s0], $0x10  }
0x49: {  	s0 =	simm.s32 @!p0 $0x1  }
0x4a: {  	_ =	swait.ge @!p0 [sflag:s0], $0x1E80  }
0x4b: {  	[sflag:s0] =	ssyncset.done @!p0 $0x0  }
0x4c: {  	p1 =	seq.s32 s30, $0x0;
	[sflag:s0] =	ssyncadd.s32 @!p0 $0xFFFFE180  }
.Ltmp3:
0x4d: {  	_ =	swait.ge @!p0 [sflag:s0], $0x10;
	(pc) =	sbr.rel @p1 .LBB2_12-.Ltmp3, $4  }
0x4e: {  	[sflag:s0] =	ssyncset.done @!p0 $0x0  }
0x4f: {  	[sflag:s0] =	ssyncadd.s32 @!p0 $0xFFFFFFF0  }
0x50: {  	[bflag:$0x0] =	sbarrier.arrive $0xFFFF  }
0x51: {  	s0 =	simm.s32 $0x64  }
0x52: {  	_ =	swait.ge [sflag:s23], $0x80  }
0x53: {  	s0 =	sadd.s32 $0xFFFFFFFF, s0;
	[sflag:s23] =	ssyncset.done $0x0  }
.LBB2_10:
0x54: {  	p1 =	sne.s32 s0, $0x1;
	s0 =	sadd.s32 $0xFFFFFFFF, s0;
	[sflag:s23] =	ssyncadd.s32 $0xFFFFFF80  }
.Ltmp4:
0x55: {  	(pc) =	sbr.rel @p1 .LBB2_10-.Ltmp4, $3  }
0x56: {  	_ =	sdelay $0x1  }
0x57: {  	_ =	swait.ge [sflag:s23], $0x80  }
0x58: {  	[sflag:s23] =	ssyncset.done $0x0  }
0x59: {  	[sflag:s23] =	ssyncadd.s32 $0xFFFFFF80  }
.LBB2_12:
0x5a: {  	s0 =	sshll.u32 s29, $0xC  }
0x5b: {  	s1 =	sshll.u32 s28, $0x7;
	s0 =	sand.u32 $0xFFFF8000, s0  }
0x5c: {  	s1 =	sand.u32 $0x380, s1;
	s5 =	sadd.s32 s0, s14;
	s12 =	sor.u32 s0, s8  }
0x5d: {  	s17 =	sadd.s32 s0, s13;
	s0 =	sor.u32 s0, s7;
	s5 =	sadd.s32 s1, s5  }
0x5e: {  	s12 =	sadd.s32 s1, s12;
	s17 =	sadd.s32 s1, s17;
	s26 =	sadd.s32 s1, s0  }
0x5f: {  	s1 =	simm.s32 $0x0;
	s5 =	sshrl.u32 s5, $0x3;
	s12 =	sshrl.u32 s12, $0x3  }
0x60: {  	[tilespmem:s21], [sflag:$0x2] =	stream.indirect.gather [spmem:s4], $0x1, s1, s20, $0xb8;
	[tilespmem:$0x1EE28] =	vst v63  }
0x61: {  	s17 =	sshrl.u32 s17, $0x3;
	s26 =	sshrl.u32 s26, $0x3;
	_ =	swait.ge [sflag:s22], $0x3200  }
0x62: {  	s31 =	sadd.s32 s5, s3;
	s0 =	sadd.s32 s12, s3;
	[sflag:s22] =	ssyncset.done $0x0  }
0x63: {  	s12 =	sadd.s32 s17, s3;
	s5 =	sadd.s32 s26, s3;
	[sflag:s22] =	ssyncadd.s32 $0xFFFFCE00  }
.LBB2_13:
0x64: {  	p1 =	sne.s32 s1, $0xC600  }
.Ltmp5:
0x65: {  	_ = 	snop;
	(pc) =	sbr.rel @p1 .LBB2_13-.Ltmp5, $4  }
0x66: {  	s17 =	sshra.s32 s1, $0x2  }
0x67: {  	s17 =	sadd.s32 $0xC800, s17  }
0x68: {  	[hbm4b:s5+s6] =	stream.linear.scatter [tilespmem:s17], [sflag:$0x3], $0x80, $0x38;
	[tilespmem:$0x1EE28] =	vst v63  }
0x69: {  	s1 =	sadd.s32 $0x200, s1;
	s5 =	sadd.s32 $0x8000, s5  }
0x6a: {  	_ =	swait.ge [sflag:s23], $0x80  }
0x6b: {  	s1 =	simm.s32 $0x63;
	[sflag:s23] =	ssyncset.done $0x0  }
.LBB2_15:
0x6c: {  	p1 =	sne.s32 s1, $0x1;
	s1 =	sadd.s32 $0xFFFFFFFF, s1;
	[sflag:s23] =	ssyncadd.s32 $0xFFFFFF80  }
.Ltmp6:
0x6d: {  	(pc) =	sbr.rel @p1 .LBB2_15-.Ltmp6, $3  }
0x6e: {  	_ =	sdelay $0x1  }
0x6f: {  	_ =	swait.ge [sflag:s23], $0x80  }
0x70: {  	[sflag:s23] =	ssyncset.done $0x0  }
0x71: {  	[sflag:s23] =	ssyncadd.s32 $0xFFFFFF80  }
0x72: {  	[tilespmem:s21], [sflag:$0x2] =	stream.indirect.gather [spmem:s4], $0x1, s20, s20, $0xb8;
	[tilespmem:$0x1EE28] =	vst v63  }
0x73: {  	_ =	swait.ge [sflag:s22], $0x3200  }
0x74: {  	[sflag:s22] =	ssyncset.done $0x0  }
0x75: {  	s1 =	simm.s32 $0x0;
	[sflag:s22] =	ssyncadd.s32 $0xFFFFCE00  }
.LBB2_17:
0x76: {  	p1 =	sne.s32 s1, $0xC600  }
.Ltmp7:
0x77: {  	_ = 	snop;
	(pc) =	sbr.rel @p1 .LBB2_17-.Ltmp7, $4  }
0x78: {  	s5 =	sshra.s32 s1, $0x2  }
0x79: {  	s5 =	sadd.s32 $0xC800, s5  }
0x7a: {  	[hbm4b:s12+s6] =	stream.linear.scatter [tilespmem:s5], [sflag:$0x3], $0x80, $0x38;
	[tilespmem:$0x1EE28] =	vst v63  }
0x7b: {  	s1 =	sadd.s32 $0x200, s1;
	s12 =	sadd.s32 $0x8000, s12  }
0x7c: {  	_ =	swait.ge [sflag:s23], $0x80  }
0x7d: {  	s1 =	simm.s32 $0x63;
	[sflag:s23] =	ssyncset.done $0x0  }
.LBB2_19:
0x7e: {  	p1 =	sne.s32 s1, $0x1;
	s1 =	sadd.s32 $0xFFFFFFFF, s1;
	[sflag:s23] =	ssyncadd.s32 $0xFFFFFF80  }
.Ltmp8:
0x7f: {  	(pc) =	sbr.rel @p1 .LBB2_19-.Ltmp8, $3  }
0x80: {  	_ =	sdelay $0x1  }
0x81: {  	_ =	swait.ge [sflag:s23], $0x80  }
0x82: {  	[sflag:s23] =	ssyncset.done $0x0  }
0x83: {  	[sflag:s23] =	ssyncadd.s32 $0xFFFFFF80  }
0x84: {  	[tilespmem:s21], [sflag:$0x2] =	stream.indirect.gather [spmem:s4], $0x1, s24, s20, $0xb8;
	[tilespmem:$0x1EE28] =	vst v63  }
0x85: {  	_ =	swait.ge [sflag:s22], $0x3200  }
0x86: {  	[sflag:s22] =	ssyncset.done $0x0  }
0x87: {  	s1 =	simm.s32 $0x0;
	[sflag:s22] =	ssyncadd.s32 $0xFFFFCE00  }
.LBB2_21:
0x88: {  	p1 =	sne.s32 s1, $0xC600  }
.Ltmp9:
0x89: {  	_ = 	snop;
	(pc) =	sbr.rel @p1 .LBB2_21-.Ltmp9, $4  }
0x8a: {  	s5 =	sshra.s32 s1, $0x2  }
0x8b: {  	s5 =	sadd.s32 $0xC800, s5  }
0x8c: {  	[hbm4b:s0+s6] =	stream.linear.scatter [tilespmem:s5], [sflag:$0x3], $0x80, $0x38;
	[tilespmem:$0x1EE28] =	vst v63  }
0x8d: {  	s1 =	sadd.s32 $0x200, s1;
	s0 =	sadd.s32 $0x8000, s0  }
0x8e: {  	_ =	swait.ge [sflag:s23], $0x80  }
0x8f: {  	s0 =	simm.s32 $0x63;
	[sflag:s23] =	ssyncset.done $0x0  }
.LBB2_23:
0x90: {  	p1 =	sne.s32 s0, $0x1;
	s0 =	sadd.s32 $0xFFFFFFFF, s0;
	[sflag:s23] =	ssyncadd.s32 $0xFFFFFF80  }
.Ltmp10:
0x91: {  	(pc) =	sbr.rel @p1 .LBB2_23-.Ltmp10, $3  }
0x92: {  	_ =	sdelay $0x1  }
0x93: {  	_ =	swait.ge [sflag:s23], $0x80  }
0x94: {  	[sflag:s23] =	ssyncset.done $0x0  }
0x95: {  	[sflag:s23] =	ssyncadd.s32 $0xFFFFFF80  }
0x96: {  	[tilespmem:s21], [sflag:$0x2] =	stream.indirect.gather [spmem:s4], $0x1, s25, s20, $0xb8;
	[tilespmem:$0x1EE28] =	vst v63  }
0x97: {  	_ =	swait.ge [sflag:s22], $0x3200  }
0x98: {  	[sflag:s22] =	ssyncset.done $0x0  }
0x99: {  	s0 =	simm.s32 $0xC800;
	[sflag:s22] =	ssyncadd.s32 $0xFFFFCE00  }
0x9a: {  	[hbm4b:s31+s6] =	stream.linear.scatter [tilespmem:s0], [sflag:$0x3], $0x80, $0x38;
	[tilespmem:$0x1EE28] =	vst v63  }
0x9b: {  	s0 =	simm.s32 $0x200  }
.LBB2_25:
0x9c: {  	p1 =	sne.s32 s0, $0xC600  }
.Ltmp11:
0x9d: {  	_ = 	snop;
	(pc) =	sbr.rel @p1 .LBB2_25-.Ltmp11, $4  }
0x9e: {  	_ = 	snop  }
0x9f: {  	s1 =	sshra.s32 s0, $0x2;
	s0 =	sadd.s32 $0x200, s0  }
0xa0: {  	s31 =	sadd.s32 $0x8000, s31;
	s1 =	sadd.s32 $0xC800, s1  }
0xa1: {  	[hbm4b:s31+s6] =	stream.linear.scatter [tilespmem:s1], [sflag:$0x3], $0x80, $0x38;
	[tilespmem:$0x1EE28] =	vst v63  }
0xa2: {  	s30 =	sadd.s32 $0x1, s30  }
0xa3: {  	p1 =	sne.s32 s30, $0x20  }
.Ltmp12:
0xa4: {  	_ = 	snop;
	(pc) =	sbr.rel @p1 .LBB2_8-.Ltmp12, $3  }
0xa5: {  	_ =	sdelay $0x1  }
0xa6: {  	[bflag:$0x0] =	sbarrier.arrive $0xFFFF  }
0xa7: {  	s29 =	sadd.s32 $0x1, s29;
	s28 =	sadd.s32 $0x1, s28  }
0xa8: {  	_ =	swait.ge [sflag:s23], $0x80  }
0xa9: {  	s0 =	simm.s32 $0x63;
	[sflag:s23] =	ssyncset.done $0x0  }
.LBB2_28:
0xaa: {  	p1 =	sne.s32 s0, $0x1;
	s0 =	sadd.s32 $0xFFFFFFFF, s0;
	[sflag:s23] =	ssyncadd.s32 $0xFFFFFF80  }
.Ltmp13:
0xab: {  	(pc) =	sbr.rel @p1 .LBB2_28-.Ltmp13, $3  }
0xac: {  	_ =	sdelay $0x1  }
0xad: {  	_ =	swait.ge [sflag:s23], $0x80  }
0xae: {  	[sflag:s23] =	ssyncset.done $0x0  }
0xaf: {  	s1 =	rddreg [dreg:$0x6]  }
0xb0: {  	s0 =	rddreg [dreg:$0x5];
	s1 =	sadd.s32 $0x1, s1  }
0xb1: {  	p1 =	sne.s32 s1, s0  }
.Ltmp14:
0xb2: {  	_ = 	snop;
	(pc) =	sbr.rel @p1 .LBB2_1-.Ltmp14, $2  }
0xb3: {  	_ =	sdelay $0x2  }
0xb4: {  	[sflag:s23] =	ssyncadd.s32 $0xFFFFFF80  }
0xb5: {  	_ =	sfence.sel $0x180000  }
0xb6: {  	[bflag:$0x0] =	sbarrier.arrive $0xFFFF  }
0xb7: {  	_ =	strace $0x90000047  }
0xb8: {  	s0 =	stileid.u32;
	[bflag:$0x2] =	sbarrier.arrive $0xFFFF  }
0xb9: {  	p0 =	sne.s32 s0, $0x0;
	s0 =	rddreg [dreg:$0x4]  }
0xba: {  	s0 =	sadd.s32 @!p0 $0x100000, s0  }
0xbb: {  	[sflag:s0] =	ssyncadd.tile.s32 @!p0 $0x1;
	_ =	shalt  }
.Lfunc_end2:
_tile_overlayer_lowered:
.L_overlay_start_2:
0xbc: {  	(tag) =	ssettag $0x2  }
0xbd: {  	s0 =	rddreg [dreg:$0x0];
	s2 =	stileid.u32  }
0xbe: {  	s1 =	rddreg [dreg:$0x1];
	p0 =	sne.s32 s2, $0x0  }
0xbf: {  	s3 =	rddreg [dreg:$0x2];
	[bflag:$0x3] =	sbarrier.arrive $0xFFFF;
	s2 =	simm.s32 @!p0 $0x1C04  }
0xc0: {  	[timem:s3], [sflag:s2] =	dma.local @!p0 [hbm:s0], s1  }
0xc1: {  	s0 =	simm.s32 @!p0 $0x4  }
0xc2: {  	_ =	swait.ge @!p0 [sflag:s0], s1  }
0xc3: {  	s1 =	ssub.s32 @!p0 $0x0, s1;
	[sflag:s0] =	ssyncset.done @!p0 $0x0  }
0xc4: {  	[sflag:s0] =	ssyncadd.s32 @!p0 s1  }
0xc5: {  	[bflag:$0x3] =	sbarrier.arrive $0xFFFF  }
0xc6: {  	_ =	shalt  }

</sc_bundles>
